<compile_context>
chip_gen: v7x
topology: tpu7x:2x2x1
jax: 0.10.2.dev20260603
libtpu: 0.0.44.dev20260713+nightly
codegen_flags: <defaults>
</compile_context>

<pallas_src>
import functools

import jax
import jax.numpy as jnp
from jax import lax
from jax.experimental import pallas as pl
from jax.experimental.pallas import tpu as pltpu
from jax.experimental.pallas import tpu_sc as plsc

_NUM_HEADS = 16
_MAX_DIST = 512
_SEQ = 2048
_EXT = 2 * _SEQ
_NPH = 8
_NW = 32
_ROWS_PER_W = _NUM_HEADS * _SEQ // _NW
_INFLIGHT = 8


def _ext8_kernel(tab_ref, out_ref):
    tcol = tab_ref[0, 0:1, 0:2 * _MAX_DIST + 1]
    t_lo = tab_ref[0, 0, 0]
    t_hi = tab_ref[0, 0, 2 * _MAX_DIST]
    lo_w = _SEQ - 1 - _MAX_DIST
    hi_w = _EXT - lo_w - (2 * _MAX_DIST + 1)
    ext = jnp.concatenate(
        [
            jnp.full((1, lo_w), t_lo, jnp.float32),
            tcol,
            jnp.full((1, hi_w), t_hi, jnp.float32),
        ],
        axis=1,
    )
    x = jnp.broadcast_to(ext, (_NPH, _EXT))
    ph = lax.broadcasted_iota(jnp.int32, (_NPH, 1), 0)
    for k in range(3):
        m = 1 << k
        rolled = jnp.concatenate([x[:, m:], x[:, :m]], axis=1)
        x = jnp.where((ph >> k) & 1 == 1, rolled, x)
    out_ref[0] = x


def _build_ext8(table_t):
    return pl.pallas_call(
        _ext8_kernel,
        grid=(_NUM_HEADS,),
        in_specs=[pl.BlockSpec((1, 1, table_t.shape[2]), lambda h: (h, 0, 0))],
        out_specs=pl.BlockSpec((1, _NPH, _EXT), lambda h: (h, 0, 0)),
        out_shape=jax.ShapeDtypeStruct((_NUM_HEADS, _NPH, _EXT), jnp.float32),
    )(table_t)


def _sc_windows(ext8_flat):
    mesh = plsc.VectorSubcoreMesh(core_axis_name="c", subcore_axis_name="s")

    @functools.partial(
        pl.kernel,
        mesh=mesh,
        out_type=jax.ShapeDtypeStruct((_NUM_HEADS, _SEQ, _SEQ), jnp.float32),
        scratch_types=[
            pltpu.VMEM((_NPH * _EXT,), jnp.float32),
            pltpu.SemaphoreType.DMA,
        ],
        compiler_params=pltpu.CompilerParams(use_tc_tiling_on_sc=False),
    )
    def k(ext8_hbm, out_hbm, ext_v, sem):
        wid = lax.axis_index("s") * 2 + lax.axis_index("c")
        head = wid // 2
        row0 = (wid % 2) * _ROWS_PER_W

        pltpu.sync_copy(ext8_hbm.at[head], ext_v)

        def _copy(i_local):
            i = row0 + i_local
            s = (_SEQ - 1) - i
            phase = lax.rem(s, _NPH)
            off = pl.multiple_of(phase * _EXT + (s - phase), _NPH)
            return pltpu.make_async_copy(
                ext_v.at[pl.ds(off, _SEQ)],
                out_hbm.at[head, i],
                sem,
            )

        for b in range(_INFLIGHT):
            _copy(b).start()

        @pl.loop(_INFLIGHT, _ROWS_PER_W)
        def _(i_local):
            _copy(i_local).start()
            _copy(i_local - _INFLIGHT).wait()

        for b in range(_INFLIGHT):
            _copy(_ROWS_PER_W - _INFLIGHT + b).wait()

    return k(ext8_flat)


def kernel(seq_len, table):
    table_t = jnp.pad(table.T, ((0, 0), (0, 127)))[:, None, :]
    ext8 = _build_ext8(table_t).reshape(_NUM_HEADS, _NPH * _EXT)
    return _sc_windows(ext8)

# --- scband reference (transcript-rebuilt; emitter-appended) ---
"""Pipeline reference for scband-relative-position-bias-9199819948149 (READ-ONLY COPY).

The authoritative reference and input builder live on the scoring server;
editing this copy changes nothing except your own understanding.
"""

import jax, jax.numpy as jnp
import numpy as np

NUM_HEADS = 16
MAX_DISTANCE = 512
SEQ_LEN = 2048

def setup_inputs(seed: int = 0) -> dict:
    key = jax.random.key(seed)
    table = jax.random.normal(key, (2 * MAX_DISTANCE + 1, NUM_HEADS), dtype=jnp.float32)
    return {"seq_len": 2048, "table": table}

def reference(seq_len, table):
    positions = jnp.arange(SEQ_LEN) + seq_len * 0
    relative_positions = positions[None, :] - positions[:, None]
    relative_positions = jnp.clip(relative_positions, -MAX_DISTANCE, MAX_DISTANCE)
    relative_positions = relative_positions + MAX_DISTANCE
    bias = jnp.take(table, relative_positions, axis=0)  # [S, S, H]
    bias = jnp.transpose(bias, (2, 0, 1))  # [H, S, S]
    return bias

if __name__ == "__main__":
    import jax
    _d = setup_inputs()
    print(jax.jit(kernel)(*tuple(_d.values())))

</pallas_src>

<mosaic_0001>
#map = affine_map<(d0, d1) -> (0, 0)>
#map1 = affine_map<(d0, d1) -> (0, 0, 0)>
module attributes {stable_mosaic.version = 14 : i64} {
  func.func @k(%arg0: i32, %arg1: i32, %arg2: memref<16x32768xf32, #tpu.memory_space<hbm>>, %arg3: memref<16x2048x2048xf32, #tpu.memory_space<hbm>>, %arg4: memref<32768xf32, #tpu.memory_space<vmem>>, %arg5: memref<!tpu.dma_semaphore, #tpu.memory_space<semaphore_mem>>) attributes {dimension_semantics = [#tpu.dimension_semantics<core_parallel>, #tpu.dimension_semantics<subcore_parallel>], iteration_bounds = array<i64: 2, 16>, scalar_prefetch = 0 : i64, scratch_operands = 2 : i64, tpu.core_type = #tpu.core_type<sc_vector_subcore>, window_params = [{transform_indices = #map}, {transform_indices = #map1}]} {
    %mul3A = arith.constant 2 : i32
    %mul3A_0 = arith.muli %arg1, %mul3A : i32
    %add3A = arith.addi %mul3A_0, %arg0 : i32
    %jit3A = arith.constant 2 : i32
    %div3A = arith.divsi %add3A, %jit3A : i32
    %sign3A = arith.constant 0 : i32
    %sign3A_1 = arith.cmpi sgt, %add3A, %sign3A : i32
    %sign3A_2 = arith.extui %sign3A_1 : i1 to i32
    %sign3A_3 = arith.constant 0 : i32
    %sign3A_4 = arith.cmpi slt, %add3A, %sign3A_3 : i32
    %sign3A_5 = arith.extui %sign3A_4 : i1 to i32
    %sign3A_6 = arith.subi %sign3A_2, %sign3A_5 : i32
    %sign3A_7 = arith.constant 0 : i32
    %sign3A_8 = arith.cmpi sgt, %jit3A, %sign3A_7 : i32
    %sign3A_9 = arith.extui %sign3A_8 : i1 to i32
    %sign3A_10 = arith.constant 0 : i32
    %sign3A_11 = arith.cmpi slt, %jit3A, %sign3A_10 : i32
    %sign3A_12 = arith.extui %sign3A_11 : i1 to i32
    %sign3A_13 = arith.subi %sign3A_9, %sign3A_12 : i32
    %ne3A = arith.cmpi ne, %sign3A_6, %sign3A_13 : i32
    %rem3A = arith.remsi %add3A, %jit3A : i32
    %ne3A_14 = arith.constant 0 : i32
    %ne3A_15 = arith.cmpi ne, %rem3A, %ne3A_14 : i32
    %and3A = arith.andi %ne3A, %ne3A_15 : i1
    %sub3A = arith.constant 1 : i32
    %sub3A_16 = arith.subi %div3A, %sub3A : i32
    %select_n3A = arith.select %and3A, %sub3A_16, %div3A : i32
    %jit3A_17 = arith.constant 2 : i32
    %eq3A = arith.constant 0 : i32
    %eq3A_18 = arith.cmpi eq, %jit3A_17, %eq3A : i32
    %jit3A_19 = arith.constant 1 : i32
    %select_n3A_20 = arith.select %eq3A_18, %jit3A_19, %jit3A_17 : i32
    %rem3A_21 = arith.remsi %add3A, %select_n3A_20 : i32
    %ne3A_22 = arith.constant 0 : i32
    %ne3A_23 = arith.cmpi ne, %rem3A_21, %ne3A_22 : i32
    %lt3A = arith.constant 0 : i32
    %lt3A_24 = arith.cmpi slt, %rem3A_21, %lt3A : i32
    %lt3A_25 = arith.constant 0 : i32
    %lt3A_26 = arith.cmpi slt, %select_n3A_20, %lt3A_25 : i32
    %ne3A_27 = arith.xori %lt3A_24, %lt3A_26 : i1
    %and3A_28 = arith.andi %ne3A_27, %ne3A_23 : i1
    %add3A_29 = arith.addi %rem3A_21, %select_n3A_20 : i32
    %select_n3A_30 = arith.select %and3A_28, %add3A_29, %rem3A_21 : i32
    %mul3A_31 = arith.constant 1024 : i32
    %mul3A_32 = arith.muli %select_n3A_30, %mul3A_31 : i32
    "tpu.region"() ({
      %run_scoped3A = tpu.sem_alloc : memref<!tpu.dma_semaphore, #tpu.memory_space<semaphore_mem>>
      %dma_start3A_338 = arith.constant 0 : i32
      %dma_start3A_339 = tpu.memref_slice %arg2[%select_n3A, %dma_start3A_338] : memref<16x32768xf32, #tpu.memory_space<hbm>> -> memref<1x32768xf32, #tpu.memory_space<hbm>>
      %dma_start3A_340 = tpu.memref_squeeze %dma_start3A_339 : memref<1x32768xf32, #tpu.memory_space<hbm>> -> memref<32768xf32, #tpu.memory_space<hbm>>
      %dma_start3A_341 = arith.constant 0 : i32
      %dma_start3A_342 = tpu.memref_slice %arg2[%select_n3A, %dma_start3A_341] : memref<16x32768xf32, #tpu.memory_space<hbm>> -> memref<1x32768xf32, #tpu.memory_space<hbm>>
      %dma_start3A_343 = tpu.memref_squeeze %dma_start3A_342 : memref<1x32768xf32, #tpu.memory_space<hbm>> -> memref<32768xf32, #tpu.memory_space<hbm>>
      tpu.enqueue_dma source(%dma_start3A_343 : memref<32768xf32, #tpu.memory_space<hbm>>) target(%arg4 : memref<32768xf32, #tpu.memory_space<vmem>>) target_semaphore(%run_scoped3A : memref<!tpu.dma_semaphore, #tpu.memory_space<semaphore_mem>>)
      %dma_wait3A_344 = arith.constant 0 : i32
      %dma_wait3A_345 = tpu.memref_slice %arg2[%select_n3A, %dma_wait3A_344] : memref<16x32768xf32, #tpu.memory_space<hbm>> -> memref<1x32768xf32, #tpu.memory_space<hbm>>
      %dma_wait3A_346 = tpu.memref_squeeze %dma_wait3A_345 : memref<1x32768xf32, #tpu.memory_space<hbm>> -> memref<32768xf32, #tpu.memory_space<hbm>>
      %dma_wait3A_347 = arith.constant 0 : i32
      %dma_wait3A_348 = tpu.memref_slice %arg2[%select_n3A, %dma_wait3A_347] : memref<16x32768xf32, #tpu.memory_space<hbm>> -> memref<1x32768xf32, #tpu.memory_space<hbm>>
      %dma_wait3A_349 = tpu.memref_squeeze %dma_wait3A_348 : memref<1x32768xf32, #tpu.memory_space<hbm>> -> memref<32768xf32, #tpu.memory_space<hbm>>
      tpu.wait_dma2 semaphore(%run_scoped3A : memref<!tpu.dma_semaphore, #tpu.memory_space<semaphore_mem>>) src(%dma_wait3A_349 : memref<32768xf32, #tpu.memory_space<hbm>>) dst(%arg4 : memref<32768xf32, #tpu.memory_space<vmem>>)
      tpu.yield
    }) : () -> ()
    %add3A_33 = arith.constant 0 : i32
    %add3A_34 = arith.addi %mul3A_32, %add3A_33 : i32
    %sub3A_35 = arith.constant 2047 : i32
    %sub3A_36 = arith.subi %sub3A_35, %add3A_34 : i32
    %rem3A_37 = arith.constant 8 : i32
    %rem3A_38 = arith.remsi %sub3A_36, %rem3A_37 : i32
    %mul3A_39 = arith.constant 4096 : i32
    %mul3A_40 = arith.muli %rem3A_38, %mul3A_39 : i32
    %sub3A_41 = arith.subi %sub3A_36, %rem3A_38 : i32
    %add3A_42 = arith.addi %mul3A_40, %sub3A_41 : i32
    %multiple_of3A = tpu.assume_multiple %add3A_42, 8 : i32
    %dma_start3A = tpu.memref_slice %arg4[%multiple_of3A] : memref<32768xf32, #tpu.memory_space<vmem>> -> memref<2048xf32, #tpu.memory_space<vmem>>
    %dma_start3A_43 = arith.constant 0 : i32
    %dma_start3A_44 = tpu.memref_slice %arg3[%select_n3A, %add3A_34, %dma_start3A_43] : memref<16x2048x2048xf32, #tpu.memory_space<hbm>> -> memref<1x1x2048xf32, #tpu.memory_space<hbm>>
    %dma_start3A_45 = tpu.memref_squeeze %dma_start3A_44 : memref<1x1x2048xf32, #tpu.memory_space<hbm>> -> memref<2048xf32, #tpu.memory_space<hbm>>
    %dma_start3A_46 = arith.constant 0 : i32
    %dma_start3A_47 = tpu.memref_slice %arg3[%select_n3A, %add3A_34, %dma_start3A_46] : memref<16x2048x2048xf32, #tpu.memory_space<hbm>> -> memref<1x1x2048xf32, #tpu.memory_space<hbm>>
    %dma_start3A_48 = tpu.memref_squeeze %dma_start3A_47 : memref<1x1x2048xf32, #tpu.memory_space<hbm>> -> memref<2048xf32, #tpu.memory_space<hbm>>
    %dma_start3A_49 = tpu.memref_slice %arg4[%multiple_of3A] : memref<32768xf32, #tpu.memory_space<vmem>> -> memref<2048xf32, #tpu.memory_space<vmem>>
    tpu.enqueue_dma source(%dma_start3A_49 : memref<2048xf32, #tpu.memory_space<vmem>>) target(%dma_start3A_48 : memref<2048xf32, #tpu.memory_space<hbm>>) target_semaphore(%arg5 : memref<!tpu.dma_semaphore, #tpu.memory_space<semaphore_mem>>)
    %add3A_50 = arith.constant 1 : i32
    %add3A_51 = arith.addi %mul3A_32, %add3A_50 : i32
    %sub3A_52 = arith.constant 2047 : i32
    %sub3A_53 = arith.subi %sub3A_52, %add3A_51 : i32
    %rem3A_54 = arith.constant 8 : i32
    %rem3A_55 = arith.remsi %sub3A_53, %rem3A_54 : i32
    %mul3A_56 = arith.constant 4096 : i32
    %mul3A_57 = arith.muli %rem3A_55, %mul3A_56 : i32
    %sub3A_58 = arith.subi %sub3A_53, %rem3A_55 : i32
    %add3A_59 = arith.addi %mul3A_57, %sub3A_58 : i32
    %multiple_of3A_60 = tpu.assume_multiple %add3A_59, 8 : i32
    %dma_start3A_61 = tpu.memref_slice %arg4[%multiple_of3A_60] : memref<32768xf32, #tpu.memory_space<vmem>> -> memref<2048xf32, #tpu.memory_space<vmem>>
    %dma_start3A_62 = arith.constant 0 : i32
    %dma_start3A_63 = tpu.memref_slice %arg3[%select_n3A, %add3A_51, %dma_start3A_62] : memref<16x2048x2048xf32, #tpu.memory_space<hbm>> -> memref<1x1x2048xf32, #tpu.memory_space<hbm>>
    %dma_start3A_64 = tpu.memref_squeeze %dma_start3A_63 : memref<1x1x2048xf32, #tpu.memory_space<hbm>> -> memref<2048xf32, #tpu.memory_space<hbm>>
    %dma_start3A_65 = arith.constant 0 : i32
    %dma_start3A_66 = tpu.memref_slice %arg3[%select_n3A, %add3A_51, %dma_start3A_65] : memref<16x2048x2048xf32, #tpu.memory_space<hbm>> -> memref<1x1x2048xf32, #tpu.memory_space<hbm>>
    %dma_start3A_67 = tpu.memref_squeeze %dma_start3A_66 : memref<1x1x2048xf32, #tpu.memory_space<hbm>> -> memref<2048xf32, #tpu.memory_space<hbm>>
    %dma_start3A_68 = tpu.memref_slice %arg4[%multiple_of3A_60] : memref<32768xf32, #tpu.memory_space<vmem>> -> memref<2048xf32, #tpu.memory_space<vmem>>
    tpu.enqueue_dma source(%dma_start3A_68 : memref<2048xf32, #tpu.memory_space<vmem>>) target(%dma_start3A_67 : memref<2048xf32, #tpu.memory_space<hbm>>) target_semaphore(%arg5 : memref<!tpu.dma_semaphore, #tpu.memory_space<semaphore_mem>>)
    %add3A_69 = arith.constant 2 : i32
    %add3A_70 = arith.addi %mul3A_32, %add3A_69 : i32
    %sub3A_71 = arith.constant 2047 : i32
    %sub3A_72 = arith.subi %sub3A_71, %add3A_70 : i32
    %rem3A_73 = arith.constant 8 : i32
    %rem3A_74 = arith.remsi %sub3A_72, %rem3A_73 : i32
    %mul3A_75 = arith.constant 4096 : i32
    %mul3A_76 = arith.muli %rem3A_74, %mul3A_75 : i32
    %sub3A_77 = arith.subi %sub3A_72, %rem3A_74 : i32
    %add3A_78 = arith.addi %mul3A_76, %sub3A_77 : i32
    %multiple_of3A_79 = tpu.assume_multiple %add3A_78, 8 : i32
    %dma_start3A_80 = tpu.memref_slice %arg4[%multiple_of3A_79] : memref<32768xf32, #tpu.memory_space<vmem>> -> memref<2048xf32, #tpu.memory_space<vmem>>
    %dma_start3A_81 = arith.constant 0 : i32
    %dma_start3A_82 = tpu.memref_slice %arg3[%select_n3A, %add3A_70, %dma_start3A_81] : memref<16x2048x2048xf32, #tpu.memory_space<hbm>> -> memref<1x1x2048xf32, #tpu.memory_space<hbm>>
    %dma_start3A_83 = tpu.memref_squeeze %dma_start3A_82 : memref<1x1x2048xf32, #tpu.memory_space<hbm>> -> memref<2048xf32, #tpu.memory_space<hbm>>
    %dma_start3A_84 = arith.constant 0 : i32
    %dma_start3A_85 = tpu.memref_slice %arg3[%select_n3A, %add3A_70, %dma_start3A_84] : memref<16x2048x2048xf32, #tpu.memory_space<hbm>> -> memref<1x1x2048xf32, #tpu.memory_space<hbm>>
    %dma_start3A_86 = tpu.memref_squeeze %dma_start3A_85 : memref<1x1x2048xf32, #tpu.memory_space<hbm>> -> memref<2048xf32, #tpu.memory_space<hbm>>
    %dma_start3A_87 = tpu.memref_slice %arg4[%multiple_of3A_79] : memref<32768xf32, #tpu.memory_space<vmem>> -> memref<2048xf32, #tpu.memory_space<vmem>>
    tpu.enqueue_dma source(%dma_start3A_87 : memref<2048xf32, #tpu.memory_space<vmem>>) target(%dma_start3A_86 : memref<2048xf32, #tpu.memory_space<hbm>>) target_semaphore(%arg5 : memref<!tpu.dma_semaphore, #tpu.memory_space<semaphore_mem>>)
    %add3A_88 = arith.constant 3 : i32
    %add3A_89 = arith.addi %mul3A_32, %add3A_88 : i32
    %sub3A_90 = arith.constant 2047 : i32
    %sub3A_91 = arith.subi %sub3A_90, %add3A_89 : i32
    %rem3A_92 = arith.constant 8 : i32
    %rem3A_93 = arith.remsi %sub3A_91, %rem3A_92 : i32
    %mul3A_94 = arith.constant 4096 : i32
    %mul3A_95 = arith.muli %rem3A_93, %mul3A_94 : i32
    %sub3A_96 = arith.subi %sub3A_91, %rem3A_93 : i32
    %add3A_97 = arith.addi %mul3A_95, %sub3A_96 : i32
    %multiple_of3A_98 = tpu.assume_multiple %add3A_97, 8 : i32
    %dma_start3A_99 = tpu.memref_slice %arg4[%multiple_of3A_98] : memref<32768xf32, #tpu.memory_space<vmem>> -> memref<2048xf32, #tpu.memory_space<vmem>>
    %dma_start3A_100 = arith.constant 0 : i32
    %dma_start3A_101 = tpu.memref_slice %arg3[%select_n3A, %add3A_89, %dma_start3A_100] : memref<16x2048x2048xf32, #tpu.memory_space<hbm>> -> memref<1x1x2048xf32, #tpu.memory_space<hbm>>
    %dma_start3A_102 = tpu.memref_squeeze %dma_start3A_101 : memref<1x1x2048xf32, #tpu.memory_space<hbm>> -> memref<2048xf32, #tpu.memory_space<hbm>>
    %dma_start3A_103 = arith.constant 0 : i32
    %dma_start3A_104 = tpu.memref_slice %arg3[%select_n3A, %add3A_89, %dma_start3A_103] : memref<16x2048x2048xf32, #tpu.memory_space<hbm>> -> memref<1x1x2048xf32, #tpu.memory_space<hbm>>
    %dma_start3A_105 = tpu.memref_squeeze %dma_start3A_104 : memref<1x1x2048xf32, #tpu.memory_space<hbm>> -> memref<2048xf32, #tpu.memory_space<hbm>>
    %dma_start3A_106 = tpu.memref_slice %arg4[%multiple_of3A_98] : memref<32768xf32, #tpu.memory_space<vmem>> -> memref<2048xf32, #tpu.memory_space<vmem>>
    tpu.enqueue_dma source(%dma_start3A_106 : memref<2048xf32, #tpu.memory_space<vmem>>) target(%dma_start3A_105 : memref<2048xf32, #tpu.memory_space<hbm>>) target_semaphore(%arg5 : memref<!tpu.dma_semaphore, #tpu.memory_space<semaphore_mem>>)
    %add3A_107 = arith.constant 4 : i32
    %add3A_108 = arith.addi %mul3A_32, %add3A_107 : i32
    %sub3A_109 = arith.constant 2047 : i32
    %sub3A_110 = arith.subi %sub3A_109, %add3A_108 : i32
    %rem3A_111 = arith.constant 8 : i32
    %rem3A_112 = arith.remsi %sub3A_110, %rem3A_111 : i32
    %mul3A_113 = arith.constant 4096 : i32
    %mul3A_114 = arith.muli %rem3A_112, %mul3A_113 : i32
    %sub3A_115 = arith.subi %sub3A_110, %rem3A_112 : i32
    %add3A_116 = arith.addi %mul3A_114, %sub3A_115 : i32
    %multiple_of3A_117 = tpu.assume_multiple %add3A_116, 8 : i32
    %dma_start3A_118 = tpu.memref_slice %arg4[%multiple_of3A_117] : memref<32768xf32, #tpu.memory_space<vmem>> -> memref<2048xf32, #tpu.memory_space<vmem>>
    %dma_start3A_119 = arith.constant 0 : i32
    %dma_start3A_120 = tpu.memref_slice %arg3[%select_n3A, %add3A_108, %dma_start3A_119] : memref<16x2048x2048xf32, #tpu.memory_space<hbm>> -> memref<1x1x2048xf32, #tpu.memory_space<hbm>>
    %dma_start3A_121 = tpu.memref_squeeze %dma_start3A_120 : memref<1x1x2048xf32, #tpu.memory_space<hbm>> -> memref<2048xf32, #tpu.memory_space<hbm>>
    %dma_start3A_122 = arith.constant 0 : i32
    %dma_start3A_123 = tpu.memref_slice %arg3[%select_n3A, %add3A_108, %dma_start3A_122] : memref<16x2048x2048xf32, #tpu.memory_space<hbm>> -> memref<1x1x2048xf32, #tpu.memory_space<hbm>>
    %dma_start3A_124 = tpu.memref_squeeze %dma_start3A_123 : memref<1x1x2048xf32, #tpu.memory_space<hbm>> -> memref<2048xf32, #tpu.memory_space<hbm>>
    %dma_start3A_125 = tpu.memref_slice %arg4[%multiple_of3A_117] : memref<32768xf32, #tpu.memory_space<vmem>> -> memref<2048xf32, #tpu.memory_space<vmem>>
    tpu.enqueue_dma source(%dma_start3A_125 : memref<2048xf32, #tpu.memory_space<vmem>>) target(%dma_start3A_124 : memref<2048xf32, #tpu.memory_space<hbm>>) target_semaphore(%arg5 : memref<!tpu.dma_semaphore, #tpu.memory_space<semaphore_mem>>)
    %add3A_126 = arith.constant 5 : i32
    %add3A_127 = arith.addi %mul3A_32, %add3A_126 : i32
    %sub3A_128 = arith.constant 2047 : i32
    %sub3A_129 = arith.subi %sub3A_128, %add3A_127 : i32
    %rem3A_130 = arith.constant 8 : i32
    %rem3A_131 = arith.remsi %sub3A_129, %rem3A_130 : i32
    %mul3A_132 = arith.constant 4096 : i32
    %mul3A_133 = arith.muli %rem3A_131, %mul3A_132 : i32
    %sub3A_134 = arith.subi %sub3A_129, %rem3A_131 : i32
    %add3A_135 = arith.addi %mul3A_133, %sub3A_134 : i32
    %multiple_of3A_136 = tpu.assume_multiple %add3A_135, 8 : i32
    %dma_start3A_137 = tpu.memref_slice %arg4[%multiple_of3A_136] : memref<32768xf32, #tpu.memory_space<vmem>> -> memref<2048xf32, #tpu.memory_space<vmem>>
    %dma_start3A_138 = arith.constant 0 : i32
    %dma_start3A_139 = tpu.memref_slice %arg3[%select_n3A, %add3A_127, %dma_start3A_138] : memref<16x2048x2048xf32, #tpu.memory_space<hbm>> -> memref<1x1x2048xf32, #tpu.memory_space<hbm>>
    %dma_start3A_140 = tpu.memref_squeeze %dma_start3A_139 : memref<1x1x2048xf32, #tpu.memory_space<hbm>> -> memref<2048xf32, #tpu.memory_space<hbm>>
    %dma_start3A_141 = arith.constant 0 : i32
    %dma_start3A_142 = tpu.memref_slice %arg3[%select_n3A, %add3A_127, %dma_start3A_141] : memref<16x2048x2048xf32, #tpu.memory_space<hbm>> -> memref<1x1x2048xf32, #tpu.memory_space<hbm>>
    %dma_start3A_143 = tpu.memref_squeeze %dma_start3A_142 : memref<1x1x2048xf32, #tpu.memory_space<hbm>> -> memref<2048xf32, #tpu.memory_space<hbm>>
    %dma_start3A_144 = tpu.memref_slice %arg4[%multiple_of3A_136] : memref<32768xf32, #tpu.memory_space<vmem>> -> memref<2048xf32, #tpu.memory_space<vmem>>
    tpu.enqueue_dma source(%dma_start3A_144 : memref<2048xf32, #tpu.memory_space<vmem>>) target(%dma_start3A_143 : memref<2048xf32, #tpu.memory_space<hbm>>) target_semaphore(%arg5 : memref<!tpu.dma_semaphore, #tpu.memory_space<semaphore_mem>>)
    %add3A_145 = arith.constant 6 : i32
    %add3A_146 = arith.addi %mul3A_32, %add3A_145 : i32
    %sub3A_147 = arith.constant 2047 : i32
    %sub3A_148 = arith.subi %sub3A_147, %add3A_146 : i32
    %rem3A_149 = arith.constant 8 : i32
    %rem3A_150 = arith.remsi %sub3A_148, %rem3A_149 : i32
    %mul3A_151 = arith.constant 4096 : i32
    %mul3A_152 = arith.muli %rem3A_150, %mul3A_151 : i32
    %sub3A_153 = arith.subi %sub3A_148, %rem3A_150 : i32
    %add3A_154 = arith.addi %mul3A_152, %sub3A_153 : i32
    %multiple_of3A_155 = tpu.assume_multiple %add3A_154, 8 : i32
    %dma_start3A_156 = tpu.memref_slice %arg4[%multiple_of3A_155] : memref<32768xf32, #tpu.memory_space<vmem>> -> memref<2048xf32, #tpu.memory_space<vmem>>
    %dma_start3A_157 = arith.constant 0 : i32
    %dma_start3A_158 = tpu.memref_slice %arg3[%select_n3A, %add3A_146, %dma_start3A_157] : memref<16x2048x2048xf32, #tpu.memory_space<hbm>> -> memref<1x1x2048xf32, #tpu.memory_space<hbm>>
    %dma_start3A_159 = tpu.memref_squeeze %dma_start3A_158 : memref<1x1x2048xf32, #tpu.memory_space<hbm>> -> memref<2048xf32, #tpu.memory_space<hbm>>
    %dma_start3A_160 = arith.constant 0 : i32
    %dma_start3A_161 = tpu.memref_slice %arg3[%select_n3A, %add3A_146, %dma_start3A_160] : memref<16x2048x2048xf32, #tpu.memory_space<hbm>> -> memref<1x1x2048xf32, #tpu.memory_space<hbm>>
    %dma_start3A_162 = tpu.memref_squeeze %dma_start3A_161 : memref<1x1x2048xf32, #tpu.memory_space<hbm>> -> memref<2048xf32, #tpu.memory_space<hbm>>
    %dma_start3A_163 = tpu.memref_slice %arg4[%multiple_of3A_155] : memref<32768xf32, #tpu.memory_space<vmem>> -> memref<2048xf32, #tpu.memory_space<vmem>>
    tpu.enqueue_dma source(%dma_start3A_163 : memref<2048xf32, #tpu.memory_space<vmem>>) target(%dma_start3A_162 : memref<2048xf32, #tpu.memory_space<hbm>>) target_semaphore(%arg5 : memref<!tpu.dma_semaphore, #tpu.memory_space<semaphore_mem>>)
    %add3A_164 = arith.constant 7 : i32
    %add3A_165 = arith.addi %mul3A_32, %add3A_164 : i32
    %sub3A_166 = arith.constant 2047 : i32
    %sub3A_167 = arith.subi %sub3A_166, %add3A_165 : i32
    %rem3A_168 = arith.constant 8 : i32
    %rem3A_169 = arith.remsi %sub3A_167, %rem3A_168 : i32
    %mul3A_170 = arith.constant 4096 : i32
    %mul3A_171 = arith.muli %rem3A_169, %mul3A_170 : i32
    %sub3A_172 = arith.subi %sub3A_167, %rem3A_169 : i32
    %add3A_173 = arith.addi %mul3A_171, %sub3A_172 : i32
    %multiple_of3A_174 = tpu.assume_multiple %add3A_173, 8 : i32
    %dma_start3A_175 = tpu.memref_slice %arg4[%multiple_of3A_174] : memref<32768xf32, #tpu.memory_space<vmem>> -> memref<2048xf32, #tpu.memory_space<vmem>>
    %dma_start3A_176 = arith.constant 0 : i32
    %dma_start3A_177 = tpu.memref_slice %arg3[%select_n3A, %add3A_165, %dma_start3A_176] : memref<16x2048x2048xf32, #tpu.memory_space<hbm>> -> memref<1x1x2048xf32, #tpu.memory_space<hbm>>
    %dma_start3A_178 = tpu.memref_squeeze %dma_start3A_177 : memref<1x1x2048xf32, #tpu.memory_space<hbm>> -> memref<2048xf32, #tpu.memory_space<hbm>>
    %dma_start3A_179 = arith.constant 0 : i32
    %dma_start3A_180 = tpu.memref_slice %arg3[%select_n3A, %add3A_165, %dma_start3A_179] : memref<16x2048x2048xf32, #tpu.memory_space<hbm>> -> memref<1x1x2048xf32, #tpu.memory_space<hbm>>
    %dma_start3A_181 = tpu.memref_squeeze %dma_start3A_180 : memref<1x1x2048xf32, #tpu.memory_space<hbm>> -> memref<2048xf32, #tpu.memory_space<hbm>>
    %dma_start3A_182 = tpu.memref_slice %arg4[%multiple_of3A_174] : memref<32768xf32, #tpu.memory_space<vmem>> -> memref<2048xf32, #tpu.memory_space<vmem>>
    tpu.enqueue_dma source(%dma_start3A_182 : memref<2048xf32, #tpu.memory_space<vmem>>) target(%dma_start3A_181 : memref<2048xf32, #tpu.memory_space<hbm>>) target_semaphore(%arg5 : memref<!tpu.dma_semaphore, #tpu.memory_space<semaphore_mem>>)
    %scan3A = arith.constant 0 : i32
    %scan3A_183 = arith.constant 1016 : i32
    %scan3A_184 = arith.addi %scan3A, %scan3A_183 : i32
    %scan3A_185 = arith.constant 1 : i32
    scf.for %scan3A_338 = %scan3A to %scan3A_184 step %scan3A_185  : i32 {
      %mul3A_339 = arith.constant 1 : i32
      %mul3A_340 = arith.muli %scan3A_338, %mul3A_339 : i32
      %add3A_341 = arith.constant 8 : i32
      %add3A_342 = arith.addi %add3A_341, %mul3A_340 : i32
      %add3A_343 = arith.addi %mul3A_32, %add3A_342 : i32
      %sub3A_344 = arith.constant 2047 : i32
      %sub3A_345 = arith.subi %sub3A_344, %add3A_343 : i32
      %rem3A_346 = arith.constant 8 : i32
      %rem3A_347 = arith.remsi %sub3A_345, %rem3A_346 : i32
      %mul3A_348 = arith.constant 4096 : i32
      %mul3A_349 = arith.muli %rem3A_347, %mul3A_348 : i32
      %sub3A_350 = arith.subi %sub3A_345, %rem3A_347 : i32
      %add3A_351 = arith.addi %mul3A_349, %sub3A_350 : i32
      %multiple_of3A_352 = tpu.assume_multiple %add3A_351, 8 : i32
      %dma_start3A_353 = tpu.memref_slice %arg4[%multiple_of3A_352] : memref<32768xf32, #tpu.memory_space<vmem>> -> memref<2048xf32, #tpu.memory_space<vmem>>
      %dma_start3A_354 = arith.constant 0 : i32
      %dma_start3A_355 = tpu.memref_slice %arg3[%select_n3A, %add3A_343, %dma_start3A_354] : memref<16x2048x2048xf32, #tpu.memory_space<hbm>> -> memref<1x1x2048xf32, #tpu.memory_space<hbm>>
      %dma_start3A_356 = tpu.memref_squeeze %dma_start3A_355 : memref<1x1x2048xf32, #tpu.memory_space<hbm>> -> memref<2048xf32, #tpu.memory_space<hbm>>
      %dma_start3A_357 = arith.constant 0 : i32
      %dma_start3A_358 = tpu.memref_slice %arg3[%select_n3A, %add3A_343, %dma_start3A_357] : memref<16x2048x2048xf32, #tpu.memory_space<hbm>> -> memref<1x1x2048xf32, #tpu.memory_space<hbm>>
      %dma_start3A_359 = tpu.memref_squeeze %dma_start3A_358 : memref<1x1x2048xf32, #tpu.memory_space<hbm>> -> memref<2048xf32, #tpu.memory_space<hbm>>
      %dma_start3A_360 = tpu.memref_slice %arg4[%multiple_of3A_352] : memref<32768xf32, #tpu.memory_space<vmem>> -> memref<2048xf32, #tpu.memory_space<vmem>>
      tpu.enqueue_dma source(%dma_start3A_360 : memref<2048xf32, #tpu.memory_space<vmem>>) target(%dma_start3A_359 : memref<2048xf32, #tpu.memory_space<hbm>>) target_semaphore(%arg5 : memref<!tpu.dma_semaphore, #tpu.memory_space<semaphore_mem>>)
      %sub3A_361 = arith.constant 8 : i32
      %sub3A_362 = arith.subi %add3A_342, %sub3A_361 : i32
      %add3A_363 = arith.addi %mul3A_32, %sub3A_362 : i32
      %sub3A_364 = arith.constant 2047 : i32
      %sub3A_365 = arith.subi %sub3A_364, %add3A_363 : i32
      %rem3A_366 = arith.constant 8 : i32
      %rem3A_367 = arith.remsi %sub3A_365, %rem3A_366 : i32
      %mul3A_368 = arith.constant 4096 : i32
      %mul3A_369 = arith.muli %rem3A_367, %mul3A_368 : i32
      %sub3A_370 = arith.subi %sub3A_365, %rem3A_367 : i32
      %add3A_371 = arith.addi %mul3A_369, %sub3A_370 : i32
      %multiple_of3A_372 = tpu.assume_multiple %add3A_371, 8 : i32
      %dma_wait3A_373 = tpu.memref_slice %arg4[%multiple_of3A_372] : memref<32768xf32, #tpu.memory_space<vmem>> -> memref<2048xf32, #tpu.memory_space<vmem>>
      %dma_wait3A_374 = arith.constant 0 : i32
      %dma_wait3A_375 = tpu.memref_slice %arg3[%select_n3A, %add3A_363, %dma_wait3A_374] : memref<16x2048x2048xf32, #tpu.memory_space<hbm>> -> memref<1x1x2048xf32, #tpu.memory_space<hbm>>
      %dma_wait3A_376 = tpu.memref_squeeze %dma_wait3A_375 : memref<1x1x2048xf32, #tpu.memory_space<hbm>> -> memref<2048xf32, #tpu.memory_space<hbm>>
      %dma_wait3A_377 = arith.constant 0 : i32
      %dma_wait3A_378 = tpu.memref_slice %arg3[%select_n3A, %add3A_363, %dma_wait3A_377] : memref<16x2048x2048xf32, #tpu.memory_space<hbm>> -> memref<1x1x2048xf32, #tpu.memory_space<hbm>>
      %dma_wait3A_379 = tpu.memref_squeeze %dma_wait3A_378 : memref<1x1x2048xf32, #tpu.memory_space<hbm>> -> memref<2048xf32, #tpu.memory_space<hbm>>
      %dma_wait3A_380 = tpu.memref_slice %arg4[%multiple_of3A_372] : memref<32768xf32, #tpu.memory_space<vmem>> -> memref<2048xf32, #tpu.memory_space<vmem>>
      tpu.wait_dma2 semaphore(%arg5 : memref<!tpu.dma_semaphore, #tpu.memory_space<semaphore_mem>>) src(%dma_wait3A_380 : memref<2048xf32, #tpu.memory_space<vmem>>) dst(%dma_wait3A_379 : memref<2048xf32, #tpu.memory_space<hbm>>)
    }
    %scan3A_186 = arith.constant 1016 : i32
    %add3A_187 = arith.constant 1016 : i32
    %add3A_188 = arith.addi %mul3A_32, %add3A_187 : i32
    %sub3A_189 = arith.constant 2047 : i32
    %sub3A_190 = arith.subi %sub3A_189, %add3A_188 : i32
    %rem3A_191 = arith.constant 8 : i32
    %rem3A_192 = arith.remsi %sub3A_190, %rem3A_191 : i32
    %mul3A_193 = arith.constant 4096 : i32
    %mul3A_194 = arith.muli %rem3A_192, %mul3A_193 : i32
    %sub3A_195 = arith.subi %sub3A_190, %rem3A_192 : i32
    %add3A_196 = arith.addi %mul3A_194, %sub3A_195 : i32
    %multiple_of3A_197 = tpu.assume_multiple %add3A_196, 8 : i32
    %dma_wait3A = tpu.memref_slice %arg4[%multiple_of3A_197] : memref<32768xf32, #tpu.memory_space<vmem>> -> memref<2048xf32, #tpu.memory_space<vmem>>
    %dma_wait3A_198 = arith.constant 0 : i32
    %dma_wait3A_199 = tpu.memref_slice %arg3[%select_n3A, %add3A_188, %dma_wait3A_198] : memref<16x2048x2048xf32, #tpu.memory_space<hbm>> -> memref<1x1x2048xf32, #tpu.memory_space<hbm>>
    %dma_wait3A_200 = tpu.memref_squeeze %dma_wait3A_199 : memref<1x1x2048xf32, #tpu.memory_space<hbm>> -> memref<2048xf32, #tpu.memory_space<hbm>>
    %dma_wait3A_201 = arith.constant 0 : i32
    %dma_wait3A_202 = tpu.memref_slice %arg3[%select_n3A, %add3A_188, %dma_wait3A_201] : memref<16x2048x2048xf32, #tpu.memory_space<hbm>> -> memref<1x1x2048xf32, #tpu.memory_space<hbm>>
    %dma_wait3A_203 = tpu.memref_squeeze %dma_wait3A_202 : memref<1x1x2048xf32, #tpu.memory_space<hbm>> -> memref<2048xf32, #tpu.memory_space<hbm>>
    %dma_wait3A_204 = tpu.memref_slice %arg4[%multiple_of3A_197] : memref<32768xf32, #tpu.memory_space<vmem>> -> memref<2048xf32, #tpu.memory_space<vmem>>
    tpu.wait_dma2 semaphore(%arg5 : memref<!tpu.dma_semaphore, #tpu.memory_space<semaphore_mem>>) src(%dma_wait3A_204 : memref<2048xf32, #tpu.memory_space<vmem>>) dst(%dma_wait3A_203 : memref<2048xf32, #tpu.memory_space<hbm>>)
    %add3A_205 = arith.constant 1017 : i32
    %add3A_206 = arith.addi %mul3A_32, %add3A_205 : i32
    %sub3A_207 = arith.constant 2047 : i32
    %sub3A_208 = arith.subi %sub3A_207, %add3A_206 : i32
    %rem3A_209 = arith.constant 8 : i32
    %rem3A_210 = arith.remsi %sub3A_208, %rem3A_209 : i32
    %mul3A_211 = arith.constant 4096 : i32
    %mul3A_212 = arith.muli %rem3A_210, %mul3A_211 : i32
    %sub3A_213 = arith.subi %sub3A_208, %rem3A_210 : i32
    %add3A_214 = arith.addi %mul3A_212, %sub3A_213 : i32
    %multiple_of3A_215 = tpu.assume_multiple %add3A_214, 8 : i32
    %dma_wait3A_216 = tpu.memref_slice %arg4[%multiple_of3A_215] : memref<32768xf32, #tpu.memory_space<vmem>> -> memref<2048xf32, #tpu.memory_space<vmem>>
    %dma_wait3A_217 = arith.constant 0 : i32
    %dma_wait3A_218 = tpu.memref_slice %arg3[%select_n3A, %add3A_206, %dma_wait3A_217] : memref<16x2048x2048xf32, #tpu.memory_space<hbm>> -> memref<1x1x2048xf32, #tpu.memory_space<hbm>>
    %dma_wait3A_219 = tpu.memref_squeeze %dma_wait3A_218 : memref<1x1x2048xf32, #tpu.memory_space<hbm>> -> memref<2048xf32, #tpu.memory_space<hbm>>
    %dma_wait3A_220 = arith.constant 0 : i32
    %dma_wait3A_221 = tpu.memref_slice %arg3[%select_n3A, %add3A_206, %dma_wait3A_220] : memref<16x2048x2048xf32, #tpu.memory_space<hbm>> -> memref<1x1x2048xf32, #tpu.memory_space<hbm>>
    %dma_wait3A_222 = tpu.memref_squeeze %dma_wait3A_221 : memref<1x1x2048xf32, #tpu.memory_space<hbm>> -> memref<2048xf32, #tpu.memory_space<hbm>>
    %dma_wait3A_223 = tpu.memref_slice %arg4[%multiple_of3A_215] : memref<32768xf32, #tpu.memory_space<vmem>> -> memref<2048xf32, #tpu.memory_space<vmem>>
    tpu.wait_dma2 semaphore(%arg5 : memref<!tpu.dma_semaphore, #tpu.memory_space<semaphore_mem>>) src(%dma_wait3A_223 : memref<2048xf32, #tpu.memory_space<vmem>>) dst(%dma_wait3A_222 : memref<2048xf32, #tpu.memory_space<hbm>>)
    %add3A_224 = arith.constant 1018 : i32
    %add3A_225 = arith.addi %mul3A_32, %add3A_224 : i32
    %sub3A_226 = arith.constant 2047 : i32
    %sub3A_227 = arith.subi %sub3A_226, %add3A_225 : i32
    %rem3A_228 = arith.constant 8 : i32
    %rem3A_229 = arith.remsi %sub3A_227, %rem3A_228 : i32
    %mul3A_230 = arith.constant 4096 : i32
    %mul3A_231 = arith.muli %rem3A_229, %mul3A_230 : i32
    %sub3A_232 = arith.subi %sub3A_227, %rem3A_229 : i32
    %add3A_233 = arith.addi %mul3A_231, %sub3A_232 : i32
    %multiple_of3A_234 = tpu.assume_multiple %add3A_233, 8 : i32
    %dma_wait3A_235 = tpu.memref_slice %arg4[%multiple_of3A_234] : memref<32768xf32, #tpu.memory_space<vmem>> -> memref<2048xf32, #tpu.memory_space<vmem>>
    %dma_wait3A_236 = arith.constant 0 : i32
    %dma_wait3A_237 = tpu.memref_slice %arg3[%select_n3A, %add3A_225, %dma_wait3A_236] : memref<16x2048x2048xf32, #tpu.memory_space<hbm>> -> memref<1x1x2048xf32, #tpu.memory_space<hbm>>
    %dma_wait3A_238 = tpu.memref_squeeze %dma_wait3A_237 : memref<1x1x2048xf32, #tpu.memory_space<hbm>> -> memref<2048xf32, #tpu.memory_space<hbm>>
    %dma_wait3A_239 = arith.constant 0 : i32
    %dma_wait3A_240 = tpu.memref_slice %arg3[%select_n3A, %add3A_225, %dma_wait3A_239] : memref<16x2048x2048xf32, #tpu.memory_space<hbm>> -> memref<1x1x2048xf32, #tpu.memory_space<hbm>>
    %dma_wait3A_241 = tpu.memref_squeeze %dma_wait3A_240 : memref<1x1x2048xf32, #tpu.memory_space<hbm>> -> memref<2048xf32, #tpu.memory_space<hbm>>
    %dma_wait3A_242 = tpu.memref_slice %arg4[%multiple_of3A_234] : memref<32768xf32, #tpu.memory_space<vmem>> -> memref<2048xf32, #tpu.memory_space<vmem>>
    tpu.wait_dma2 semaphore(%arg5 : memref<!tpu.dma_semaphore, #tpu.memory_space<semaphore_mem>>) src(%dma_wait3A_242 : memref<2048xf32, #tpu.memory_space<vmem>>) dst(%dma_wait3A_241 : memref<2048xf32, #tpu.memory_space<hbm>>)
    %add3A_243 = arith.constant 1019 : i32
    %add3A_244 = arith.addi %mul3A_32, %add3A_243 : i32
    %sub3A_245 = arith.constant 2047 : i32
    %sub3A_246 = arith.subi %sub3A_245, %add3A_244 : i32
    %rem3A_247 = arith.constant 8 : i32
    %rem3A_248 = arith.remsi %sub3A_246, %rem3A_247 : i32
    %mul3A_249 = arith.constant 4096 : i32
    %mul3A_250 = arith.muli %rem3A_248, %mul3A_249 : i32
    %sub3A_251 = arith.subi %sub3A_246, %rem3A_248 : i32
    %add3A_252 = arith.addi %mul3A_250, %sub3A_251 : i32
    %multiple_of3A_253 = tpu.assume_multiple %add3A_252, 8 : i32
    %dma_wait3A_254 = tpu.memref_slice %arg4[%multiple_of3A_253] : memref<32768xf32, #tpu.memory_space<vmem>> -> memref<2048xf32, #tpu.memory_space<vmem>>
    %dma_wait3A_255 = arith.constant 0 : i32
    %dma_wait3A_256 = tpu.memref_slice %arg3[%select_n3A, %add3A_244, %dma_wait3A_255] : memref<16x2048x2048xf32, #tpu.memory_space<hbm>> -> memref<1x1x2048xf32, #tpu.memory_space<hbm>>
    %dma_wait3A_257 = tpu.memref_squeeze %dma_wait3A_256 : memref<1x1x2048xf32, #tpu.memory_space<hbm>> -> memref<2048xf32, #tpu.memory_space<hbm>>
    %dma_wait3A_258 = arith.constant 0 : i32
    %dma_wait3A_259 = tpu.memref_slice %arg3[%select_n3A, %add3A_244, %dma_wait3A_258] : memref<16x2048x2048xf32, #tpu.memory_space<hbm>> -> memref<1x1x2048xf32, #tpu.memory_space<hbm>>
    %dma_wait3A_260 = tpu.memref_squeeze %dma_wait3A_259 : memref<1x1x2048xf32, #tpu.memory_space<hbm>> -> memref<2048xf32, #tpu.memory_space<hbm>>
    %dma_wait3A_261 = tpu.memref_slice %arg4[%multiple_of3A_253] : memref<32768xf32, #tpu.memory_space<vmem>> -> memref<2048xf32, #tpu.memory_space<vmem>>
    tpu.wait_dma2 semaphore(%arg5 : memref<!tpu.dma_semaphore, #tpu.memory_space<semaphore_mem>>) src(%dma_wait3A_261 : memref<2048xf32, #tpu.memory_space<vmem>>) dst(%dma_wait3A_260 : memref<2048xf32, #tpu.memory_space<hbm>>)
    %add3A_262 = arith.constant 1020 : i32
    %add3A_263 = arith.addi %mul3A_32, %add3A_262 : i32
    %sub3A_264 = arith.constant 2047 : i32
    %sub3A_265 = arith.subi %sub3A_264, %add3A_263 : i32
    %rem3A_266 = arith.constant 8 : i32
    %rem3A_267 = arith.remsi %sub3A_265, %rem3A_266 : i32
    %mul3A_268 = arith.constant 4096 : i32
    %mul3A_269 = arith.muli %rem3A_267, %mul3A_268 : i32
    %sub3A_270 = arith.subi %sub3A_265, %rem3A_267 : i32
    %add3A_271 = arith.addi %mul3A_269, %sub3A_270 : i32
    %multiple_of3A_272 = tpu.assume_multiple %add3A_271, 8 : i32
    %dma_wait3A_273 = tpu.memref_slice %arg4[%multiple_of3A_272] : memref<32768xf32, #tpu.memory_space<vmem>> -> memref<2048xf32, #tpu.memory_space<vmem>>
    %dma_wait3A_274 = arith.constant 0 : i32
    %dma_wait3A_275 = tpu.memref_slice %arg3[%select_n3A, %add3A_263, %dma_wait3A_274] : memref<16x2048x2048xf32, #tpu.memory_space<hbm>> -> memref<1x1x2048xf32, #tpu.memory_space<hbm>>
    %dma_wait3A_276 = tpu.memref_squeeze %dma_wait3A_275 : memref<1x1x2048xf32, #tpu.memory_space<hbm>> -> memref<2048xf32, #tpu.memory_space<hbm>>
    %dma_wait3A_277 = arith.constant 0 : i32
    %dma_wait3A_278 = tpu.memref_slice %arg3[%select_n3A, %add3A_263, %dma_wait3A_277] : memref<16x2048x2048xf32, #tpu.memory_space<hbm>> -> memref<1x1x2048xf32, #tpu.memory_space<hbm>>
    %dma_wait3A_279 = tpu.memref_squeeze %dma_wait3A_278 : memref<1x1x2048xf32, #tpu.memory_space<hbm>> -> memref<2048xf32, #tpu.memory_space<hbm>>
    %dma_wait3A_280 = tpu.memref_slice %arg4[%multiple_of3A_272] : memref<32768xf32, #tpu.memory_space<vmem>> -> memref<2048xf32, #tpu.memory_space<vmem>>
    tpu.wait_dma2 semaphore(%arg5 : memref<!tpu.dma_semaphore, #tpu.memory_space<semaphore_mem>>) src(%dma_wait3A_280 : memref<2048xf32, #tpu.memory_space<vmem>>) dst(%dma_wait3A_279 : memref<2048xf32, #tpu.memory_space<hbm>>)
    %add3A_281 = arith.constant 1021 : i32
    %add3A_282 = arith.addi %mul3A_32, %add3A_281 : i32
    %sub3A_283 = arith.constant 2047 : i32
    %sub3A_284 = arith.subi %sub3A_283, %add3A_282 : i32
    %rem3A_285 = arith.constant 8 : i32
    %rem3A_286 = arith.remsi %sub3A_284, %rem3A_285 : i32
    %mul3A_287 = arith.constant 4096 : i32
    %mul3A_288 = arith.muli %rem3A_286, %mul3A_287 : i32
    %sub3A_289 = arith.subi %sub3A_284, %rem3A_286 : i32
    %add3A_290 = arith.addi %mul3A_288, %sub3A_289 : i32
    %multiple_of3A_291 = tpu.assume_multiple %add3A_290, 8 : i32
    %dma_wait3A_292 = tpu.memref_slice %arg4[%multiple_of3A_291] : memref<32768xf32, #tpu.memory_space<vmem>> -> memref<2048xf32, #tpu.memory_space<vmem>>
    %dma_wait3A_293 = arith.constant 0 : i32
    %dma_wait3A_294 = tpu.memref_slice %arg3[%select_n3A, %add3A_282, %dma_wait3A_293] : memref<16x2048x2048xf32, #tpu.memory_space<hbm>> -> memref<1x1x2048xf32, #tpu.memory_space<hbm>>
    %dma_wait3A_295 = tpu.memref_squeeze %dma_wait3A_294 : memref<1x1x2048xf32, #tpu.memory_space<hbm>> -> memref<2048xf32, #tpu.memory_space<hbm>>
    %dma_wait3A_296 = arith.constant 0 : i32
    %dma_wait3A_297 = tpu.memref_slice %arg3[%select_n3A, %add3A_282, %dma_wait3A_296] : memref<16x2048x2048xf32, #tpu.memory_space<hbm>> -> memref<1x1x2048xf32, #tpu.memory_space<hbm>>
    %dma_wait3A_298 = tpu.memref_squeeze %dma_wait3A_297 : memref<1x1x2048xf32, #tpu.memory_space<hbm>> -> memref<2048xf32, #tpu.memory_space<hbm>>
    %dma_wait3A_299 = tpu.memref_slice %arg4[%multiple_of3A_291] : memref<32768xf32, #tpu.memory_space<vmem>> -> memref<2048xf32, #tpu.memory_space<vmem>>
    tpu.wait_dma2 semaphore(%arg5 : memref<!tpu.dma_semaphore, #tpu.memory_space<semaphore_mem>>) src(%dma_wait3A_299 : memref<2048xf32, #tpu.memory_space<vmem>>) dst(%dma_wait3A_298 : memref<2048xf32, #tpu.memory_space<hbm>>)
    %add3A_300 = arith.constant 1022 : i32
    %add3A_301 = arith.addi %mul3A_32, %add3A_300 : i32
    %sub3A_302 = arith.constant 2047 : i32
    %sub3A_303 = arith.subi %sub3A_302, %add3A_301 : i32
    %rem3A_304 = arith.constant 8 : i32
    %rem3A_305 = arith.remsi %sub3A_303, %rem3A_304 : i32
    %mul3A_306 = arith.constant 4096 : i32
    %mul3A_307 = arith.muli %rem3A_305, %mul3A_306 : i32
    %sub3A_308 = arith.subi %sub3A_303, %rem3A_305 : i32
    %add3A_309 = arith.addi %mul3A_307, %sub3A_308 : i32
    %multiple_of3A_310 = tpu.assume_multiple %add3A_309, 8 : i32
    %dma_wait3A_311 = tpu.memref_slice %arg4[%multiple_of3A_310] : memref<32768xf32, #tpu.memory_space<vmem>> -> memref<2048xf32, #tpu.memory_space<vmem>>
    %dma_wait3A_312 = arith.constant 0 : i32
    %dma_wait3A_313 = tpu.memref_slice %arg3[%select_n3A, %add3A_301, %dma_wait3A_312] : memref<16x2048x2048xf32, #tpu.memory_space<hbm>> -> memref<1x1x2048xf32, #tpu.memory_space<hbm>>
    %dma_wait3A_314 = tpu.memref_squeeze %dma_wait3A_313 : memref<1x1x2048xf32, #tpu.memory_space<hbm>> -> memref<2048xf32, #tpu.memory_space<hbm>>
    %dma_wait3A_315 = arith.constant 0 : i32
    %dma_wait3A_316 = tpu.memref_slice %arg3[%select_n3A, %add3A_301, %dma_wait3A_315] : memref<16x2048x2048xf32, #tpu.memory_space<hbm>> -> memref<1x1x2048xf32, #tpu.memory_space<hbm>>
    %dma_wait3A_317 = tpu.memref_squeeze %dma_wait3A_316 : memref<1x1x2048xf32, #tpu.memory_space<hbm>> -> memref<2048xf32, #tpu.memory_space<hbm>>
    %dma_wait3A_318 = tpu.memref_slice %arg4[%multiple_of3A_310] : memref<32768xf32, #tpu.memory_space<vmem>> -> memref<2048xf32, #tpu.memory_space<vmem>>
    tpu.wait_dma2 semaphore(%arg5 : memref<!tpu.dma_semaphore, #tpu.memory_space<semaphore_mem>>) src(%dma_wait3A_318 : memref<2048xf32, #tpu.memory_space<vmem>>) dst(%dma_wait3A_317 : memref<2048xf32, #tpu.memory_space<hbm>>)
    %add3A_319 = arith.constant 1023 : i32
    %add3A_320 = arith.addi %mul3A_32, %add3A_319 : i32
    %sub3A_321 = arith.constant 2047 : i32
    %sub3A_322 = arith.subi %sub3A_321, %add3A_320 : i32
    %rem3A_323 = arith.constant 8 : i32
    %rem3A_324 = arith.remsi %sub3A_322, %rem3A_323 : i32
    %mul3A_325 = arith.constant 4096 : i32
    %mul3A_326 = arith.muli %rem3A_324, %mul3A_325 : i32
    %sub3A_327 = arith.subi %sub3A_322, %rem3A_324 : i32
    %add3A_328 = arith.addi %mul3A_326, %sub3A_327 : i32
    %multiple_of3A_329 = tpu.assume_multiple %add3A_328, 8 : i32
    %dma_wait3A_330 = tpu.memref_slice %arg4[%multiple_of3A_329] : memref<32768xf32, #tpu.memory_space<vmem>> -> memref<2048xf32, #tpu.memory_space<vmem>>
    %dma_wait3A_331 = arith.constant 0 : i32
    %dma_wait3A_332 = tpu.memref_slice %arg3[%select_n3A, %add3A_320, %dma_wait3A_331] : memref<16x2048x2048xf32, #tpu.memory_space<hbm>> -> memref<1x1x2048xf32, #tpu.memory_space<hbm>>
    %dma_wait3A_333 = tpu.memref_squeeze %dma_wait3A_332 : memref<1x1x2048xf32, #tpu.memory_space<hbm>> -> memref<2048xf32, #tpu.memory_space<hbm>>
    %dma_wait3A_334 = arith.constant 0 : i32
    %dma_wait3A_335 = tpu.memref_slice %arg3[%select_n3A, %add3A_320, %dma_wait3A_334] : memref<16x2048x2048xf32, #tpu.memory_space<hbm>> -> memref<1x1x2048xf32, #tpu.memory_space<hbm>>
    %dma_wait3A_336 = tpu.memref_squeeze %dma_wait3A_335 : memref<1x1x2048xf32, #tpu.memory_space<hbm>> -> memref<2048xf32, #tpu.memory_space<hbm>>
    %dma_wait3A_337 = tpu.memref_slice %arg4[%multiple_of3A_329] : memref<32768xf32, #tpu.memory_space<vmem>> -> memref<2048xf32, #tpu.memory_space<vmem>>
    tpu.wait_dma2 semaphore(%arg5 : memref<!tpu.dma_semaphore, #tpu.memory_space<semaphore_mem>>) src(%dma_wait3A_337 : memref<2048xf32, #tpu.memory_space<vmem>>) dst(%dma_wait3A_336 : memref<2048xf32, #tpu.memory_space<hbm>>)
    return
  }
}

module attributes {stable_mosaic.version = 14 : i64} {
  func.func @_ext8_kernel(%arg0: i32, %arg1: memref<1x1x1152xf32, #tpu.memory_space<vmem>>, %arg2: memref<1x8x4096xf32, #tpu.memory_space<vmem>>) attributes {dimension_semantics = [#tpu.dimension_semantics<arbitrary>], iteration_bounds = array<i64: 16>, scalar_prefetch = 0 : i64, scratch_operands = 0 : i64, tpu.core_type = #tpu.core_type<tc>, window_params = [{transform_indices = @transform_0, window_bounds = array<i64: 1, 1, 1152>}, {transform_indices = @transform_1, window_bounds = array<i64: 1, 8, 4096>}]} {
    %get3A = arith.constant 0 : index
    %get3A_0 = arith.constant 0 : index
    %get3A_1 = arith.constant 0 : index
    %get3A_2 = vector.load %arg1[%get3A, %get3A_0, %get3A_1] : memref<1x1x1152xf32, #tpu.memory_space<vmem>>, vector<1x1x1025xf32>
    %get3A_3 = vector.shape_cast %get3A_2 : vector<1x1x1025xf32> to vector<1x1025xf32>
    %get3A_4 = arith.constant 0 : index
    %get3A_5 = arith.constant 0 : index
    %get3A_6 = arith.constant 0 : index
    %get3A_7 = vector.load %arg1[%get3A_4, %get3A_5, %get3A_6] : memref<1x1x1152xf32, #tpu.memory_space<vmem>>, vector<1x1x1xf32>
    %get3A_8 = vector.extract %get3A_7[0, 0, 0] : f32 from vector<1x1x1xf32>
    %get3A_9 = arith.constant 0 : index
    %get3A_10 = arith.constant 0 : index
    %get3A_11 = arith.constant 1024 : index
    %get3A_12 = vector.load %arg1[%get3A_9, %get3A_10, %get3A_11] : memref<1x1x1152xf32, #tpu.memory_space<vmem>>, vector<1x1x1xf32>
    %get3A_13 = vector.extract %get3A_12[0, 0, 0] : f32 from vector<1x1x1xf32>
    %broadcast_in_dim3A = vector.broadcast %get3A_8 : f32 to vector<1x1535xf32>
    %broadcast_in_dim3A_14 = vector.broadcast %get3A_13 : f32 to vector<1x1536xf32>
    %concatenate3A = tpu.concatenate %broadcast_in_dim3A, %get3A_3, %broadcast_in_dim3A_14 in 1 : vector<1x1535xf32>, vector<1x1025xf32>, vector<1x1536xf32> -> vector<1x4096xf32>
    %broadcast_in_dim3A_15 = vector.shape_cast %concatenate3A : vector<1x4096xf32> to vector<1x4096xf32>
    %broadcast_in_dim3A_16 = vector.broadcast %broadcast_in_dim3A_15 : vector<1x4096xf32> to vector<8x4096xf32>
    %iota3A = tpu.iota {dimensions = array<i32: 0>} : vector<8x1xi32>
    %slice3A = vector.extract_strided_slice %broadcast_in_dim3A_16 {offsets = [0, 1], sizes = [8, 4095], strides = [1, 1]} : vector<8x4096xf32> to vector<8x4095xf32>
    %slice3A_17 = vector.extract_strided_slice %broadcast_in_dim3A_16 {offsets = [0, 0], sizes = [8, 1], strides = [1, 1]} : vector<8x4096xf32> to vector<8x1xf32>
    %concatenate3A_18 = tpu.concatenate %slice3A, %slice3A_17 in 1 : vector<8x4095xf32>, vector<8x1xf32> -> vector<8x4096xf32>
    %shift_right_arithmetic3A = arith.constant 0 : i32
    %shift_right_arithmetic3A_19 = vector.broadcast %shift_right_arithmetic3A : i32 to vector<8x1xi32>
    %shift_right_arithmetic3A_20 = arith.shrsi %iota3A, %shift_right_arithmetic3A_19 : vector<8x1xi32>
    %and3A = arith.constant 1 : i32
    %and3A_21 = vector.broadcast %and3A : i32 to vector<8x1xi32>
    %and3A_22 = arith.andi %shift_right_arithmetic3A_20, %and3A_21 : vector<8x1xi32>
    %eq3A = arith.constant 1 : i32
    %eq3A_23 = vector.broadcast %eq3A : i32 to vector<8x1xi32>
    %eq3A_24 = arith.cmpi eq, %and3A_22, %eq3A_23 : vector<8x1xi32>
    %broadcast_in_dim3A_25 = vector.shape_cast %eq3A_24 : vector<8x1xi1> to vector<8x1xi1>
    %broadcast_in_dim3A_26 = vector.broadcast %broadcast_in_dim3A_25 : vector<8x1xi1> to vector<8x4096xi1>
    %select_n3A = arith.select %broadcast_in_dim3A_26, %concatenate3A_18, %broadcast_in_dim3A_16 : vector<8x4096xi1>, vector<8x4096xf32>
    %slice3A_27 = vector.extract_strided_slice %select_n3A {offsets = [0, 2], sizes = [8, 4094], strides = [1, 1]} : vector<8x4096xf32> to vector<8x4094xf32>
    %slice3A_28 = vector.extract_strided_slice %select_n3A {offsets = [0, 0], sizes = [8, 2], strides = [1, 1]} : vector<8x4096xf32> to vector<8x2xf32>
    %concatenate3A_29 = tpu.concatenate %slice3A_27, %slice3A_28 in 1 : vector<8x4094xf32>, vector<8x2xf32> -> vector<8x4096xf32>
    %shift_right_arithmetic3A_30 = arith.constant 1 : i32
    %shift_right_arithmetic3A_31 = vector.broadcast %shift_right_arithmetic3A_30 : i32 to vector<8x1xi32>
    %shift_right_arithmetic3A_32 = arith.shrsi %iota3A, %shift_right_arithmetic3A_31 : vector<8x1xi32>
    %and3A_33 = arith.constant 1 : i32
    %and3A_34 = vector.broadcast %and3A_33 : i32 to vector<8x1xi32>
    %and3A_35 = arith.andi %shift_right_arithmetic3A_32, %and3A_34 : vector<8x1xi32>
    %eq3A_36 = arith.constant 1 : i32
    %eq3A_37 = vector.broadcast %eq3A_36 : i32 to vector<8x1xi32>
    %eq3A_38 = arith.cmpi eq, %and3A_35, %eq3A_37 : vector<8x1xi32>
    %broadcast_in_dim3A_39 = vector.shape_cast %eq3A_38 : vector<8x1xi1> to vector<8x1xi1>
    %broadcast_in_dim3A_40 = vector.broadcast %broadcast_in_dim3A_39 : vector<8x1xi1> to vector<8x4096xi1>
    %select_n3A_41 = arith.select %broadcast_in_dim3A_40, %concatenate3A_29, %select_n3A : vector<8x4096xi1>, vector<8x4096xf32>
    %slice3A_42 = vector.extract_strided_slice %select_n3A_41 {offsets = [0, 4], sizes = [8, 4092], strides = [1, 1]} : vector<8x4096xf32> to vector<8x4092xf32>
    %slice3A_43 = vector.extract_strided_slice %select_n3A_41 {offsets = [0, 0], sizes = [8, 4], strides = [1, 1]} : vector<8x4096xf32> to vector<8x4xf32>
    %concatenate3A_44 = tpu.concatenate %slice3A_42, %slice3A_43 in 1 : vector<8x4092xf32>, vector<8x4xf32> -> vector<8x4096xf32>
    %shift_right_arithmetic3A_45 = arith.constant 2 : i32
    %shift_right_arithmetic3A_46 = vector.broadcast %shift_right_arithmetic3A_45 : i32 to vector<8x1xi32>
    %shift_right_arithmetic3A_47 = arith.shrsi %iota3A, %shift_right_arithmetic3A_46 : vector<8x1xi32>
    %and3A_48 = arith.constant 1 : i32
    %and3A_49 = vector.broadcast %and3A_48 : i32 to vector<8x1xi32>
    %and3A_50 = arith.andi %shift_right_arithmetic3A_47, %and3A_49 : vector<8x1xi32>
    %eq3A_51 = arith.constant 1 : i32
    %eq3A_52 = vector.broadcast %eq3A_51 : i32 to vector<8x1xi32>
    %eq3A_53 = arith.cmpi eq, %and3A_50, %eq3A_52 : vector<8x1xi32>
    %broadcast_in_dim3A_54 = vector.shape_cast %eq3A_53 : vector<8x1xi1> to vector<8x1xi1>
    %broadcast_in_dim3A_55 = vector.broadcast %broadcast_in_dim3A_54 : vector<8x1xi1> to vector<8x4096xi1>
    %select_n3A_56 = arith.select %broadcast_in_dim3A_55, %concatenate3A_44, %select_n3A_41 : vector<8x4096xi1>, vector<8x4096xf32>
    %swap3A = arith.constant 0 : index
    %swap3A_57 = arith.constant 0 : index
    %swap3A_58 = arith.constant 0 : index
    %swap3A_59 = vector.load %arg2[%swap3A, %swap3A_57, %swap3A_58] : memref<1x8x4096xf32, #tpu.memory_space<vmem>>, vector<1x8x4096xf32>
    %swap3A_60 = vector.shape_cast %swap3A_59 : vector<1x8x4096xf32> to vector<8x4096xf32>
    %swap3A_61 = vector.shape_cast %select_n3A_56 : vector<8x4096xf32> to vector<1x8x4096xf32>
    tpu.vector_store %arg2[%swap3A, %swap3A_57, %swap3A_58], %swap3A_61 {strides = array<i32>} : memref<1x8x4096xf32, #tpu.memory_space<vmem>>, vector<1x8x4096xf32>,
    return
  }
  func.func @transform_0(%arg0: i32) -> (i32, i32, i32) {
    %c0_i32 = arith.constant 0 : i32
    %c0_i32_0 = arith.constant 0 : i32
    %c0_i32_1 = arith.constant 0 : i32
    return %arg0, %c0_i32, %c0_i32_0 : i32, i32, i32
  }
  func.func @transform_1(%arg0: i32) -> (i32, i32, i32) {
    %c0_i32 = arith.constant 0 : i32
    %c0_i32_0 = arith.constant 0 : i32
    %c0_i32_1 = arith.constant 0 : i32
    return %arg0, %c0_i32, %c0_i32_0 : i32, i32, i32
  }
}

</mosaic_0001>

<sc_bundles>
// kernel: kernel.4.cloned.1.call-start
scs
__scs_entry_jumppad:
0x0: {  	(pc) =	sbr.rel $0x88, $3  }
0x1: {  	(tag) =	ssettag $0x0;
	lr =	simm.s32 $0x1  }
0x2: {  	[smem:$0x3FA0] =	sst lr;
	_ =	strace $0xD0000000  }
0x3: {  	_ = 	snop  }
0x4: {  	_ = 	snop  }
0x5: {  	_ = 	snop  }
0x6: {  	_ = 	snop  }
0x7: {  	_ = 	snop  }
__scs_overlays_trampoline_lowered:
0x8: {  	[smem:$0x3FAF] =	sst s0  }
0x9: {  	[smem:$0x3FB0] =	sst s1  }
0xa: {  	[smem:$0x3FB1] =	sst s2  }
0xb: {  	[smem:$0x3FB2] =	sst s3  }
0xc: {  	[smem:$0x3FB3] =	sst s4  }
0xd: {  	[smem:$0x3FB4] =	sst s5  }
0xe: {  	[smem:$0x3FB5] =	sst s6  }
0xf: {  	[smem:$0x3FB6] =	sst s7  }
0x10: {  	[smem:$0x3FB7] =	sst s8  }
0x11: {  	[smem:$0x3FB8] =	sst s9;
	s0 =	simm.s32 @!p0 $0x0  }
0x12: {  	s1 =	sld [smem:$0x3F9E];
	s0 =	simm.s32 @p0 $0x1  }
0x13: {  	[smem:$0x3FB9] =	sst s0;
	s0 =	simm.s32 @!p1 $0x0  }
0x14: {  	s2 =	sld [smem:$0x3F9D];
	s0 =	simm.s32 @p1 $0x1  }
0x15: {  	[smem:$0x3FBA] =	sst s0;
	s0 =	simm.s32 @!p2 $0x0  }
0x16: {  	s3 =	sld [smem:$0x3FDB];
	s0 =	simm.s32 @p2 $0x1  }
0x17: {  	s4 =	simm.s32 $0x1BF5;
	[smem:$0x3FBC] =	sst s0  }
0x18: {  	s0 =	sld [smem:$0x3F9F];
	_ =	swait.ge [sflag:s4], $0x0  }
0x19: {  	s7 =	sld [smem:$0x3FA0]  }
0x1a: {  	s8 =	sadd.s32 $0xFFFFE003, lr  }
0x1b: {  	s9 =	sadd.s32 $0xFFFFFEF7, lr;
	s5 =	simm.s32 $0xFFFFFFFF;
	p2 =	slt.u32 s8, $0xFFFFF086  }
0x1c: {  	p1 =	slt.u32 s9, $0xF7A;
	s5 =	simm.s32 @!p2 $0x0  }
0x1d: {  	s5 =	simm.s32 @p1 $0x1;
	p0 =	seq.s32 s7, s2  }
0x1e: {  	s7 =	smul.u32 @!p0 $0xF7A, s2;
	p2 =	seq.s32 @!p0 s5, $0x0  }
0x1f: {  	s9 =	smul.u32 $0xF7A, s1;
	s8 =	simm.s32 @!p0 $0x1BF5;
	p2 =	por !p2, p0  }
0x20: {  	[sflag:s8] =	ssyncset.s32 @!p0 $0xFFFFF086;
	s6 =	sadd.s32 @!p0 s3, s7;
	s7 =	simm.s32 @!p0 $0x108  }
0x21: {  	s3 =	sadd.s32 s3, s9;
	s6 =	sadd.s32 @!p0 $0x88, s6;
	s7 =	simm.s32 @p2 $0x1082  }
0x22: {  	[simem:s7], [sflag:s8] =	dma.local @!p0 [hbm:s6], $0xF7A  }
0x23: {  	s9 =	sor.u32 $0xD0000000, s2;
	s6 =	simm.s32 $0x108;
	_ =	swait.ge @!p0 [sflag:s8], $0x0  }
0x24: {  	s3 =	sadd.s32 $0x88, s3;
	s6 =	simm.s32 @!p1 $0x1082;
	[sflag:s4] =	ssyncset.s32 $0xFFFFF086  }
0x25: {  	[simem:s6], [sflag:s4] =	dma.local [hbm:s3], $0xF7A  }
0x26: {  	[smem:$0x3FA0] =	sst s1;
	(tag) =	ssettag s2;
	_ =	strace s9  }
0x27: {  	s1 =	sld [smem:$0x3FB0]  }
0x28: {  	s2 =	sld [smem:$0x3FB1]  }
0x29: {  	s4 =	sld [smem:$0x3FB3]  }
0x2a: {  	p0 =	seq.s32 s5, $0x0;
	s5 =	sld [smem:$0x3FB4]  }
0x2b: {  	s6 =	sld [smem:$0x3FB5]  }
0x2c: {  	s7 =	sld [smem:$0x3FB6]  }
0x2d: {  	s3 =	simm.s32 $0x108;
	s8 =	sld [smem:$0x3FB7]  }
0x2e: {  	s3 =	simm.s32 @!p0 $0x1082;
	s9 =	sld [smem:$0x3FB8]  }
0x2f: {  	lr =	sadd.s32 s0, s3;
	s0 =	sld [smem:$0x3FAF]  }
0x30: {  	s3 =	sld [smem:$0x3FB2]  }
0x31: {  	[smem:$0x3FBB] =	sst s10  }
0x32: {  	s10 =	sld [smem:$0x3FB9];
	_ =	sdelay $0x3  }
0x33: {  	p0 =	seq.s32 s10, $0x1;
	s10 =	sld [smem:$0x3FBB];
	_ =	sdelay $0x3  }
0x34: {  	[smem:$0x3FBB] =	sst s10  }
0x35: {  	s10 =	sld [smem:$0x3FBA];
	_ =	sdelay $0x3  }
0x36: {  	p1 =	seq.s32 s10, $0x1;
	s10 =	sld [smem:$0x3FBB];
	_ =	sdelay $0x3  }
0x37: {  	[smem:$0x3FBB] =	sst s10  }
0x38: {  	s10 =	sld [smem:$0x3FBC]  }
0x39: {  	_ = 	snop;
	(pc) =	sbr.ind lr, $3  }
0x3a: {  	_ = 	snop  }
0x3b: {  	_ = 	snop  }
0x3c: {  	p2 =	seq.s32 s10, $0x1;
	s10 =	sld [smem:$0x3FBB]  }
0x3d: {  	_ =	shalt  }
0x3e: {  	_ =	shalt  }
0x3f: {  	_ =	shalt  }
0x40: {  	_ =	shalt  }
0x41: {  	_ =	shalt  }
0x42: {  	_ =	shalt  }
0x43: {  	_ =	shalt  }
0x44: {  	_ =	shalt  }
0x45: {  	_ =	shalt  }
0x46: {  	_ =	shalt  }
0x47: {  	_ =	shalt  }
0x48: {  	_ =	shalt  }
0x49: {  	_ =	shalt  }
0x4a: {  	_ =	shalt  }
0x4b: {  	_ =	shalt  }
0x4c: {  	_ =	shalt  }
0x4d: {  	_ =	shalt  }
0x4e: {  	_ =	shalt  }
0x4f: {  	_ =	shalt  }
0x50: {  	_ =	shalt  }
0x51: {  	_ =	shalt  }
0x52: {  	_ =	shalt  }
0x53: {  	_ =	shalt  }
0x54: {  	_ =	shalt  }
0x55: {  	_ =	shalt  }
0x56: {  	_ =	shalt  }
0x57: {  	_ =	shalt  }
0x58: {  	_ =	shalt  }
0x59: {  	_ =	shalt  }
0x5a: {  	_ =	shalt  }
0x5b: {  	_ =	shalt  }
0x5c: {  	_ =	shalt  }
0x5d: {  	_ =	shalt  }
0x5e: {  	_ =	shalt  }
0x5f: {  	_ =	shalt  }
0x60: {  	_ =	shalt  }
0x61: {  	_ =	shalt  }
0x62: {  	_ =	shalt  }
0x63: {  	_ =	shalt  }
0x64: {  	_ =	shalt  }
0x65: {  	_ =	shalt  }
0x66: {  	_ =	shalt  }
0x67: {  	_ =	shalt  }
0x68: {  	_ =	shalt  }
0x69: {  	_ =	shalt  }
0x6a: {  	_ =	shalt  }
0x6b: {  	_ =	shalt  }
0x6c: {  	_ =	shalt  }
0x6d: {  	_ =	shalt  }
0x6e: {  	_ =	shalt  }
0x6f: {  	_ =	shalt  }
0x70: {  	_ =	shalt  }
0x71: {  	_ =	shalt  }
0x72: {  	_ =	shalt  }
0x73: {  	_ =	shalt  }
0x74: {  	_ =	shalt  }
0x75: {  	_ =	shalt  }
0x76: {  	_ =	shalt  }
0x77: {  	_ =	shalt  }
0x78: {  	_ =	shalt  }
0x79: {  	_ =	shalt  }
0x7a: {  	_ =	shalt  }
0x7b: {  	_ =	shalt  }
0x7c: {  	_ =	shalt  }
0x7d: {  	_ =	shalt  }
0x7e: {  	_ =	shalt  }
0x7f: {  	_ =	shalt  }
0x80: {  	_ =	shalt  }
0x81: {  	_ =	shalt  }
0x82: {  	_ =	shalt  }
0x83: {  	_ =	shalt  }
0x84: {  	_ =	shalt  }
0x85: {  	_ =	shalt  }
0x86: {  	_ =	shalt  }
0x87: {  	_ =	shalt  }
.Lfunc_end0:
.L_simem_size_0:
called_computation_lowered:
.L_overlay_start_0:
0x88: {  	s2 =	sld [smem:$0x3FD9]  }
0x89: {  	s3 =	sld [smem:$0x3FFE];
	_ =	sdelay $0x1  }
0x8a: {  	s1 =	srdreg.scid  }
0x8b: {  	s0 =	sand.u32 $0x1, s1  }
0x8c: {  	s17 =	sshll.u32 s0, $0xA;
	s2 =	sadd.s32 s3, s2  }
0x8d: {  	s2 =	sadd.s32 s2, s17  }
0x8e: {  	[smem:$0x3FC7] =	sst s2  }
0x8f: {  	_ = 	snop  }
0x90: {  	s2 =	sld [smem:$0x3FD0];
	(tm) =	ssettm $0x1  }
0x91: {  	s18 =	sld [smem:$0x3FFB];
	_ =	sdelay $0x3  }
0x92: {  	_ =	strace s18  }
0x93: {  	s3 =	sld [smem:$0x3FFC];
	_ =	sdelay $0x3  }
0x94: {  	_ =	strace s3  }
0x95: {  	s3 =	sld [smem:$0x3FFD];
	_ =	sdelay $0x3  }
0x96: {  	_ =	strace s3  }
0x97: {  	_ =	strace $0x8FFFFFFF  }
0x98: {  	s19 =	sld [smem:$0x3FDB];
	_ =	sdelay $0x1  }
0x99: {  	s4 =	simm.s32 $_scs_section_size  }
0x9a: {  	s5 =	simm.s32 $_size__tile_overlayer_lowered;
	s6 =	simm.s32 $_tile_overlayer_lowered  }
0x9b: {  	s22 =	simm.s32 $0x1BFF;
	s21 =	sshll.u32 s6, $0x1;
	s3 =	sadd.s32 s4, s19  }
0x9c: {  	s7 =	simm.s32 $0x0;
	s20 =	sshll.u32 s5, $0x1;
	s5 =	sadd.s32 s21, s3  }
0x9d: {  	[timem:s7], [sflag:s22] =	dma.local [hbm:s5], s20  }
0x9e: {  	_ =	swait.ge [sflag:s22], s20  }
0x9f: {  	s4 =	ssub.s32 $0x0, s20;
	[sflag:s22] =	ssyncset.done $0x0  }
0xa0: {  	[sflag:s22] =	ssyncadd.s32 s4;
	_ =	sdelay $0x1  }
0xa1: {  	s23 =	simm.s32 $0x1B8B  }
0xa2: {  	_ =	swait.ge [sflag:s23], $0x1  }
0xa3: {  	[sflag:s23] =	ssyncset.done $0x0  }
0xa4: {  	s25 =	simm.s32 $0x1B8E;
	s24 =	sld [smem:$0x3FFE];
	[sflag:s23] =	ssyncadd.s32 $0xFFFFFFFF  }
0xa5: {  	s26 =	simm.s32 $execute0_lowered;
	[smem:$0x3FD2] =	sst s25  }
0xa6: {  	s5 =	sshll.u32 s26, $0x1;
	_ =	strace $0x80000046;
	[dreg:$0x1] =	wrdreg $0xFFFFFFFF  }
0xa7: {  	s28 =	simm.s32 $_size_execute0_lowered;
	s3 =	sadd.s32 s3, s5;
	[dreg:$0x0] =	wrdreg $0x0  }
0xa8: {  	s5 =	sshll.u32 s28, $0x1;
	[dreg:$0x2] =	wrdreg s3  }
0xa9: {  	[dreg:$0x3] =	wrdreg s5  }
0xaa: {  	[dreg:$0x4] =	wrdreg $0xC0  }
0xab: {  	_ =	task [dreg:s7], $0x5FFFF  }
0xac: {  	[dreg:$0x1] =	wrdreg $0xFFFFFFFF  }
0xad: {  	[dreg:$0x0] =	wrdreg $0x60  }
0xae: {  	[dreg:$0x2] =	wrdreg s2  }
0xaf: {  	[dreg:$0x3] =	wrdreg s24  }
0xb0: {  	[dreg:$0x4] =	wrdreg $0x9  }
0xb1: {  	_ =	task.clear_ibuf [dreg:s7], $0x5FFFF;
	_ =	strace $0x90000046  }
0xb2: {  	s29 =	simm.s32 $0x9;
	_ =	strace $0x80000048  }
0xb3: {  	_ =	swait.ge [sflag:s29], $0x1  }
0xb4: {  	[sflag:s29] =	ssyncadd.s32 $0xFFFFFFFF  }
0xb5: {  	_ =	strace $0x90000048  }
0xb6: {  	_ =	sfence  }
0xb7: {  	s30 =	sld [smem:$0x0];
	_ =	sdelay $0x2  }
0xb8: {  	s31 =	sshll.u32 s1, $0xD;
	s1 =	sshrl.u32 s1, $0x2  }
0xb9: {  	s3 =	sand.u32 $0x4000, s31;
	s1 =	sadd.s32 s1, s30  }
0xba: {  	s0 =	sor.u32 s3, s0;
	s1 =	sshll.u32 s1, $0x11  }
0xbb: {  	s0 =	sor.u32 s1, s0  }
0xbc: {  	s0 =	sadd.s32 $0x8F2B, s0  }
0xbd: {  	[sflag:s0] =	ssyncadd.remote.s32 $0x1  }
0xbe: {  	_ =	sfence.sel $0xFFFF  }
0xbf: {  	[dreg:$0x0] =	wrdreg $0xFFFFFFFF;
	(pc) =	sbr.abs _section_cstart, $3  }
0xc0: {  	[dreg:$0x1] =	wrdreg $0xFFFFFFFF  }
0xc1: {  	_ =	task.clear_ibuf [dreg:s7], $0x2FFFF;
	_ =	strace $0x9FFFFFFF  }
0xc2: {  	(tm) =	ssettm $0x7FFFFFFF  }
0xc3: {  	_ =	shalt  }
tec
execute0_lowered:
.L_overlay_start_1:
0x0: {  	(tag) =	ssettag $0x1  }
0x1: {  	s1 =	srdreg.scid  }
0x2: {  	s0 =	stileid.u32;
	s4 =	rddreg [dreg:$0x0]  }
0x3: {  	s3 =	rddreg [dreg:$0x1];
	s2 =	simm.s32 $0x0;
	s5 =	simm.s32 $0x1  }
0x4: {  	s26 =	simm.s32 $0x0;
	s24 =	sand.u32 $0x1, s1;
	[smem:$0x7FF] =	sst s2  }
0x5: {  	s22 =	sadd.s32 $0x400, s3;
	s3 =	simm.s32 $0x1;
	s1 =	sor.u32 s24, s0  }
0x6: {  	p1 =	seq.s32 s24, $0x1;
	_ =	strace $0x80000047;
	s29 =	ssub.s32 $0x2, s24  }
0x7: {  	s8 =	sshll.u32 s24, $0x15;
	s23 =	sshll.u32 s24, $0xA;
	s24 =	sshll.u32 s24, $0x16  }
0x8: {  	p0 =	seq.s32 s1, $0x0;
	s6 =	sshrl.u32 s29, $0x1;
	s9 =	sxor.u32 $0x57F8, s23  }
0x9: {  	s11 =	sxor.u32 $0x47F8, s23;
	s13 =	sxor.u32 $0x37F8, s23;
	p0 =	por !p0, !p1  }
0xa: {  	s15 =	sxor.u32 $0x27F8, s23;
	s17 =	sxor.u32 $0x17F8, s23;
	p0 =	por !p0, !p0  }
0xb: {  	s19 =	sxor.u32 $0x7F8, s23;
	s24 =	sxor.u32 $0x7F7000, s24;
	s5 =	simm.s32 @!p0 $0x0  }
0xc: {  	s21 =	ssub.s32 s29, s6;
	s6 =	sxor.u32 $0x77F8, s23;
	s5 =	ssub.s32 s0, s5  }
0xd: {  	s21 =	smax.u32 s21, $0x1;
	s7 =	sshll.u32 s5, $0x16;
	s30 =	sshll.u32 s5, $0xC  }
0xe: {  	s20 =	sor.u32 s8, s7;
	s5 =	sand.u32 $0x1FFFF000, s30;
	s7 =	sxor.u32 $0x67F8, s23  }
0xf: {  	s23 =	sxor.u32 $0x7F7, s23;
	s31 =	sshrl.u32 s20, $0x3;
	s25 =	sor.u32 $0x4000, s20  }
0x10: {  	s4 =	sadd.s32 s4, s5;
	s5 =	sadd.s32 s22, s31;
	s25 =	sshrl.u32 s25, $0x3  }
0x11: {  	s8 =	sadd.s32 $0x100, s5;
	s10 =	sadd.s32 $0x200, s5;
	s12 =	sadd.s32 $0x300, s5  }
0x12: {  	s14 =	sadd.s32 $0x400, s5;
	s16 =	sadd.s32 $0x500, s5;
	s18 =	sadd.s32 $0x600, s5  }
0x13: {  	s20 =	sadd.s32 $0x700, s5;
	s22 =	sadd.s32 s25, s22;
	s25 =	simm.s32 $0x2  }
.LBB2_1:
0x14: {  	[tilespmem:s2], [sflag:$0x2] =	stream.linear.gather [hbm4b:s4+s2], $0x8000, $0x38;
	[tilespmem:$0x8000] =	vst v63  }
0x15: {  	_ =	swait.ge [sflag:s25], $0x8000  }
0x16: {  	[sflag:s25] =	ssyncset.done $0x0  }
0x17: {  	[sflag:s25] =	ssyncadd.s32 $0xFFFF8000  }
0x18: {  	[hbm4b:s5+s2] =	stream.linear.scatter [tilespmem:s6], [sflag:$0x1], $0x800, $0x38;
	[tilespmem:$0x8000] =	vst v63  }
0x19: {  	_ = 	snop  }
0x1a: {  	[hbm4b:s8+s2] =	stream.linear.scatter [tilespmem:s7], [sflag:$0x1], $0x800, $0x38;
	[tilespmem:$0x8000] =	vst v63  }
0x1b: {  	_ = 	snop  }
0x1c: {  	[hbm4b:s10+s2] =	stream.linear.scatter [tilespmem:s9], [sflag:$0x1], $0x800, $0x38;
	[tilespmem:$0x8000] =	vst v63  }
0x1d: {  	_ = 	snop  }
0x1e: {  	[hbm4b:s12+s2] =	stream.linear.scatter [tilespmem:s11], [sflag:$0x1], $0x800, $0x38;
	[tilespmem:$0x8000] =	vst v63  }
0x1f: {  	_ = 	snop  }
0x20: {  	[hbm4b:s14+s2] =	stream.linear.scatter [tilespmem:s13], [sflag:$0x1], $0x800, $0x38;
	[tilespmem:$0x8000] =	vst v63  }
0x21: {  	_ = 	snop  }
0x22: {  	[hbm4b:s16+s2] =	stream.linear.scatter [tilespmem:s15], [sflag:$0x1], $0x800, $0x38;
	[tilespmem:$0x8000] =	vst v63  }
0x23: {  	s28 =	sand.u32 $0x7000, s24  }
0x24: {  	[hbm4b:s18+s2] =	stream.linear.scatter [tilespmem:s17], [sflag:$0x1], $0x800, $0x38;
	[tilespmem:$0x8000] =	vst v63  }
0x25: {  	s28 =	sadd.s32 s28, s23  }
0x26: {  	[hbm4b:s20+s2] =	stream.linear.scatter [tilespmem:s19], [sflag:$0x1], $0x800, $0x38;
	[tilespmem:$0x8000] =	vst v63  }
0x27: {  	s29 =	sadd.s32 $0x0, s22;
	s30 =	smov.u32 s23;
	s28 =	sand.u32 $0xFFFFFFF8, s28  }
0x28: {  	[hbm4b:s29+s2] =	stream.linear.scatter [tilespmem:s28], [sflag:$0x1], $0x800, $0x38;
	[tilespmem:$0x8000] =	vst v63  }
0x29: {  	s28 =	simm.s32 $0x100;
	s29 =	sadd.s32 $0xFFFFF000, s24;
	_ =	swait.ge [sflag:s3], $0x800  }
.LBB2_2:
0x2a: {  	s31 =	sand.u32 $0x7000, s29;
	[sflag:s3] =	ssyncset.done $0x0  }
0x2b: {  	s30 =	sadd.s32 $0xFFFFFFFF, s30;
	s1 =	sadd.s32 s28, s22;
	p0 =	sne.s32 s28, $0x3F700  }
.Ltmp0:
0x2c: {  	s31 =	sadd.s32 s31, s30;
	[sflag:s3] =	ssyncadd.s32 $0xFFFFF800;
	(pc) =	sbr.rel @p0 .LBB2_2-.Ltmp0, $4  }
0x2d: {  	s28 =	sadd.s32 $0x100, s28;
	s31 =	sand.u32 $0xFFFFFFF8, s31  }
0x2e: {  	[hbm4b:s1+s2] =	stream.linear.scatter [tilespmem:s31], [sflag:$0x1], $0x800, $0x38;
	[tilespmem:$0x8000] =	vst v63  }
0x2f: {  	_ = 	snop  }
0x30: {  	s29 =	sadd.s32 $0xFFFFF000, s29;
	_ =	swait.ge [sflag:s3], $0x800  }
0x31: {  	[sflag:s3] =	ssyncset.done $0x0  }
0x32: {  	[sflag:s3] =	ssyncadd.s32 $0xFFFFF800  }
0x33: {  	_ =	swait.ge [sflag:s3], $0x800  }
0x34: {  	[sflag:s3] =	ssyncset.done $0x0  }
0x35: {  	[sflag:s3] =	ssyncadd.s32 $0xFFFFF800  }
0x36: {  	_ =	swait.ge [sflag:s3], $0x800  }
0x37: {  	[sflag:s3] =	ssyncset.done $0x0  }
0x38: {  	[sflag:s3] =	ssyncadd.s32 $0xFFFFF800  }
0x39: {  	_ =	swait.ge [sflag:s3], $0x800  }
0x3a: {  	[sflag:s3] =	ssyncset.done $0x0  }
0x3b: {  	[sflag:s3] =	ssyncadd.s32 $0xFFFFF800  }
0x3c: {  	_ =	swait.ge [sflag:s3], $0x800  }
0x3d: {  	[sflag:s3] =	ssyncset.done $0x0  }
0x3e: {  	[sflag:s3] =	ssyncadd.s32 $0xFFFFF800  }
0x3f: {  	_ =	swait.ge [sflag:s3], $0x800  }
0x40: {  	[sflag:s3] =	ssyncset.done $0x0  }
0x41: {  	[sflag:s3] =	ssyncadd.s32 $0xFFFFF800  }
0x42: {  	_ =	swait.ge [sflag:s3], $0x800  }
0x43: {  	[sflag:s3] =	ssyncset.done $0x0  }
0x44: {  	s26 =	sadd.s32 $0x1, s26;
	[sflag:s3] =	ssyncadd.s32 $0xFFFFF800  }
0x45: {  	p0 =	sne.s32 s26, s21;
	_ =	swait.ge [sflag:s3], $0x800  }
.Ltmp1:
0x46: {  	[sflag:s3] =	ssyncset.done $0x0;
	(pc) =	sbr.rel @p0 .LBB2_1-.Ltmp1, $4  }
0x47: {  	[sflag:s3] =	ssyncadd.s32 $0xFFFFF800  }
0x48: {  	_ =	swait.ge [sflag:s3], $0x800  }
0x49: {  	[sflag:s3] =	ssyncset.done $0x0  }
0x4a: {  	[sflag:s3] =	ssyncadd.s32 $0xFFFFF800  }
0x4b: {  	_ =	sfence.sel $0x180000  }
0x4c: {  	[bflag:$0x0] =	sbarrier.arrive $0xFFFF  }
0x4d: {  	_ =	strace $0x90000047  }
0x4e: {  	[bflag:$0x2] =	sbarrier.arrive $0xFFFF  }
0x4f: {  	p0 =	sne.s32 s0, $0x0;
	s0 =	rddreg [dreg:$0x2]  }
0x50: {  	s0 =	sadd.s32 @!p0 $0x100000, s0  }
0x51: {  	[sflag:s0] =	ssyncadd.tile.s32 @!p0 $0x1;
	_ =	shalt  }
.Lfunc_end2:
_tile_overlayer_lowered:
.L_overlay_start_2:
0x52: {  	(tag) =	ssettag $0x2  }
0x53: {  	s0 =	rddreg [dreg:$0x0];
	s2 =	stileid.u32  }
0x54: {  	s1 =	rddreg [dreg:$0x1];
	p0 =	sne.s32 s2, $0x0  }
0x55: {  	s3 =	rddreg [dreg:$0x2];
	[bflag:$0x3] =	sbarrier.arrive $0xFFFF;
	s2 =	simm.s32 @!p0 $0x1C02  }
0x56: {  	[timem:s3], [sflag:s2] =	dma.local @!p0 [hbm:s0], s1  }
0x57: {  	s0 =	simm.s32 @!p0 $0x2  }
0x58: {  	_ =	swait.ge @!p0 [sflag:s0], s1  }
0x59: {  	s1 =	ssub.s32 @!p0 $0x0, s1;
	[sflag:s0] =	ssyncset.done @!p0 $0x0  }
0x5a: {  	[sflag:s0] =	ssyncadd.s32 @!p0 s1  }
0x5b: {  	[bflag:$0x3] =	sbarrier.arrive $0xFFFF  }
0x5c: {  	_ =	shalt  }

</sc_bundles>
